<compile_context>
chip_gen: v7x
topology: tpu7x:2x2x1
jax: 0.10.2.dev20260603
libtpu: 0.0.44.dev20260713+nightly
codegen_flags: <defaults>
</compile_context>

<pallas_src>
import functools

import jax
import jax.numpy as jnp
from jax import lax
from jax.experimental import pallas as pl
from jax.experimental.pallas import tpu as pltpu
from jax.experimental.pallas import tpu_sc as plsc

EPS = 1e-12

NC, NS = 2, 16
NW = NC * NS
N_CHUNKS = 4

ROWS_PER_TC_BLOCK = 4096


def _sc_gather(table, idx_flat, n_rows, emb):
    b_per_w = n_rows // NW
    cs = b_per_w // N_CHUNKS
    mesh = plsc.VectorSubcoreMesh(core_axis_name="c", subcore_axis_name="s")

    @functools.partial(
        pl.kernel,
        mesh=mesh,
        out_type=jax.ShapeDtypeStruct((n_rows, emb), jnp.float32),
        scratch_types=[
            pltpu.VMEM((b_per_w,), jnp.int32),
            pltpu.VMEM((b_per_w, emb), jnp.float32),
            pltpu.SemaphoreType.DMA((2,)),
            pltpu.SemaphoreType.DMA((2,)),
        ],
    )
    def gather_kernel(table_hbm, idx_hbm, out_hbm, idx_v, rows_v, gsems, wsems):
        wid = lax.axis_index("s") * NC + lax.axis_index("c")
        base = wid * b_per_w
        half = b_per_w // 2
        pltpu.sync_copy(idx_hbm.at[pl.ds(base, b_per_w)], idx_v)
        g0 = pltpu.async_copy(
            table_hbm.at[idx_v.at[pl.ds(0, half)]],
            rows_v.at[pl.ds(0, half)], gsems.at[0])
        g1 = pltpu.async_copy(
            table_hbm.at[idx_v.at[pl.ds(half, half)]],
            rows_v.at[pl.ds(half, half)], gsems.at[1])
        g0.wait()
        w0 = pltpu.async_copy(
            rows_v.at[pl.ds(0, half)],
            out_hbm.at[pl.ds(base, half)], wsems.at[0])
        g1.wait()
        w1 = pltpu.async_copy(
            rows_v.at[pl.ds(half, half)],
            out_hbm.at[pl.ds(base + half, half)], wsems.at[1])
        w0.wait()
        w1.wait()

    return gather_kernel(table, idx_flat)


def _ln_body(g_ref, pos_ref, type_ref, gamma_ref, beta_ref, out_ref):
    r, e = g_ref.shape
    s = pos_ref.shape[0]
    comb = pos_ref[...] + type_ref[0, :][None, :]
    if r > s:
        x = g_ref[...].reshape(-1, s, e) + comb[None]
    else:
        x = g_ref[...] + comb
    inv_e = 1.0 / e
    mean = jnp.sum(x, axis=-1, keepdims=True) * inv_e
    sumsq = jnp.sum(x * x, axis=-1, keepdims=True)
    var = sumsq * inv_e - mean * mean
    rstd = lax.rsqrt(var + EPS)
    y = (x - mean) * rstd
    gm, bt = gamma_ref[...], beta_ref[...]
    if r > s:
        y = y * gm[None] + bt[None]
        out_ref[...] = y.reshape(-1, e)
    else:
        out_ref[...] = y * gm + bt


def _tc_add_ln(gathered, pos_emb, type_emb, gamma, beta):
    n, e = gathered.shape
    s = pos_emb.shape[0]
    r = ROWS_PER_TC_BLOCK
    grid = (n // r,)
    n_pos_blocks = max(s // r, 1)
    return pl.pallas_call(
        _ln_body,
        grid=grid,
        in_specs=[
            pl.BlockSpec((r, e), lambda i: (i, 0)),
            pl.BlockSpec((min(r, s), e),
                         lambda i: (i % n_pos_blocks, 0)),
            pl.BlockSpec(type_emb.shape, lambda i: (0, 0)),
            pl.BlockSpec((1, e), lambda i: (0, 0)),
            pl.BlockSpec((1, e), lambda i: (0, 0)),
        ],
        out_specs=pl.BlockSpec((r, e), lambda i: (i, 0)),
        out_shape=jax.ShapeDtypeStruct((n, e), jnp.float32),
    )(gathered, pos_emb, type_emb, gamma, beta)


def kernel(input_ids, word_emb, pos_emb, type_emb, ln_gamma, ln_beta):
    b, s = input_ids.shape
    v, e = word_emb.shape
    idx_flat = input_ids.reshape(-1).astype(jnp.int32)
    gathered = _sc_gather(word_emb, idx_flat, b * s, e)
    out = _tc_add_ln(
        gathered,
        pos_emb,
        type_emb,
        ln_gamma.reshape(1, e),
        ln_beta.reshape(1, e),
    )
    return out.reshape(b, s, e)

# --- scband reference (transcript-rebuilt; emitter-appended) ---
"""Pipeline reference for scband-albert-embeddings-34222299414795 (READ-ONLY COPY).

The authoritative reference and input builder live on the scoring server;
editing this copy changes nothing except your own understanding.
"""

import jax, jax.numpy as jnp
import numpy as np

VOCAB = 30000
EMB = 128
MAX_POS = 512
TYPE_VOCAB = 2
EPS = 1e-12
B, S = 32, 512


def setup_inputs(seed: int = 0) -> dict:
    key = jax.random.key(seed)
    k1, k2, k3, k4 = jax.random.split(key, 4)
    input_ids = jax.random.randint(k1, (B, S), 0, VOCAB, dtype=jnp.int64 if jax.config.jax_enable_x64 else jnp.int32)
    word_emb = jax.random.normal(k2, (VOCAB, EMB), dtype=jnp.float32) * 0.02
    # padding_idx=0: row zeroed as in nn.Embedding(padding_idx=0)
    word_emb = word_emb.at[0].set(0.0)
    pos_emb = jax.random.normal(k3, (MAX_POS, EMB), dtype=jnp.float32) * 0.02
    type_emb = jax.random.normal(k4, (TYPE_VOCAB, EMB), dtype=jnp.float32) * 0.02
    ln_gamma = jnp.ones((EMB,), dtype=jnp.float32)
    ln_beta = jnp.zeros((EMB,), dtype=jnp.float32)
    return {
        "input_ids": input_ids,
        "word_emb": word_emb,
        "pos_emb": pos_emb,
        "type_emb": type_emb,
        "ln_gamma": ln_gamma,
        "ln_beta": ln_beta,
    }


def _layer_norm(x, gamma, beta, eps=EPS):
    mean = jnp.mean(x, axis=-1, keepdims=True)
    var = jnp.mean(jnp.square(x - mean), axis=-1, keepdims=True)
    xn = (x - mean) / jnp.sqrt(var + eps)
    return xn * gamma + beta


def reference(input_ids, word_emb, pos_emb, type_emb, ln_gamma, ln_beta):
    seq_length = input_ids.shape[1]
    position_ids = jnp.broadcast_to(jnp.arange(seq_length, dtype=input_ids.dtype)[None, :], input_ids.shape)
    token_type_ids = jnp.zeros_like(input_ids)
    word_embeddings = jnp.take(word_emb, input_ids, axis=0)
    position_embeddings = jnp.take(pos_emb, position_ids, axis=0)
    token_type_embeddings = jnp.take(type_emb, token_type_ids, axis=0)
    embeddings = word_embeddings + position_embeddings + token_type_embeddings
    embeddings = _layer_norm(embeddings, ln_gamma, ln_beta)
    # dropout p=0.0 / eval mode -> identity
    return embeddings

if __name__ == "__main__":
    import jax
    _d = setup_inputs()
    print(jax.jit(kernel)(*tuple(_d.values())))

</pallas_src>

<mosaic_0001>
#map = affine_map<(d0, d1) -> (0, 0)>
#map1 = affine_map<(d0, d1) -> (0)>
module attributes {stable_mosaic.version = 14 : i64} {
  func.func @gather_kernel(%arg0: i32, %arg1: i32, %arg2: memref<30000x128xf32, #tpu.memory_space<hbm>>, %arg3: memref<16384xi32, #tpu.memory_space<hbm>>, %arg4: memref<16384x128xf32, #tpu.memory_space<hbm>>, %arg5: memref<512xi32, #tpu.memory_space<vmem>>, %arg6: memref<512x128xf32, #tpu.memory_space<vmem>>, %arg7: memref<2x!tpu.dma_semaphore, #tpu.memory_space<semaphore_mem>>, %arg8: memref<2x!tpu.dma_semaphore, #tpu.memory_space<semaphore_mem>>) attributes {dimension_semantics = [#tpu.dimension_semantics<core_parallel>, #tpu.dimension_semantics<subcore_parallel>], iteration_bounds = array<i64: 2, 16>, scalar_prefetch = 0 : i64, scratch_operands = 4 : i64, tpu.core_type = #tpu.core_type<sc_vector_subcore>, window_params = [{transform_indices = #map}, {transform_indices = #map1}, {transform_indices = #map}]} {
    %mul3A = arith.constant 2 : i32
    %mul3A_0 = arith.muli %arg1, %mul3A : i32
    %add3A = arith.addi %mul3A_0, %arg0 : i32
    %mul3A_1 = arith.constant 512 : i32
    %mul3A_2 = arith.muli %add3A, %mul3A_1 : i32
    "tpu.region"() ({
      %run_scoped3A = tpu.sem_alloc : memref<!tpu.dma_semaphore, #tpu.memory_space<semaphore_mem>>
      %dma_start3A_99 = tpu.memref_slice %arg3[%mul3A_2] : memref<16384xi32, #tpu.memory_space<hbm>> -> memref<512xi32, #tpu.memory_space<hbm>>
      %dma_start3A_100 = tpu.memref_slice %arg3[%mul3A_2] : memref<16384xi32, #tpu.memory_space<hbm>> -> memref<512xi32, #tpu.memory_space<hbm>>
      tpu.enqueue_dma source(%dma_start3A_100 : memref<512xi32, #tpu.memory_space<hbm>>) target(%arg5 : memref<512xi32, #tpu.memory_space<vmem>>) target_semaphore(%run_scoped3A : memref<!tpu.dma_semaphore, #tpu.memory_space<semaphore_mem>>)
      %dma_wait3A_101 = tpu.memref_slice %arg3[%mul3A_2] : memref<16384xi32, #tpu.memory_space<hbm>> -> memref<512xi32, #tpu.memory_space<hbm>>
      %dma_wait3A_102 = tpu.memref_slice %arg3[%mul3A_2] : memref<16384xi32, #tpu.memory_space<hbm>> -> memref<512xi32, #tpu.memory_space<hbm>>
      tpu.wait_dma2 semaphore(%run_scoped3A : memref<!tpu.dma_semaphore, #tpu.memory_space<semaphore_mem>>) src(%dma_wait3A_102 : memref<512xi32, #tpu.memory_space<hbm>>) dst(%arg5 : memref<512xi32, #tpu.memory_space<vmem>>)
      tpu.yield
    }) : () -> ()
    %dma_start3A = arith.constant 0 : i32
    %dma_start3A_3 = arith.constant 0 : i32
    %dma_start3A_4 = arith.constant 0 : i32
    %dma_start3A_5 = tpu.memref_slice %arg6[%dma_start3A_3, %dma_start3A_4] : memref<512x128xf32, #tpu.memory_space<vmem>> -> memref<256x128xf32, #tpu.memory_space<vmem>>
    %dma_start3A_6 = arith.constant 0 : i32
    %dma_start3A_7 = tpu.memref_slice %arg5[%dma_start3A_6] : memref<512xi32, #tpu.memory_space<vmem>> -> memref<256xi32, #tpu.memory_space<vmem>>
    %dma_start3A_8 = arith.constant 0 : i32
    %dma_start3A_9 = arith.constant 0 : i32
    %dma_start3A_10 = tpu.memref_slice %arg2[%dma_start3A_8, %dma_start3A_9] : memref<30000x128xf32, #tpu.memory_space<hbm>> -> memref<30000x128xf32, #tpu.memory_space<hbm>>
    %dma_start3A_11 = tpu.memref_slice %arg7[%dma_start3A] : memref<2x!tpu.dma_semaphore, #tpu.memory_space<semaphore_mem>> -> memref<1x!tpu.dma_semaphore, #tpu.memory_space<semaphore_mem>>
    %dma_start3A_12 = tpu.memref_squeeze %dma_start3A_11 : memref<1x!tpu.dma_semaphore, #tpu.memory_space<semaphore_mem>> -> memref<!tpu.dma_semaphore, #tpu.memory_space<semaphore_mem>>
    tpu.enqueue_indirect_dma source(%dma_start3A_10 : memref<30000x128xf32, #tpu.memory_space<hbm>>) target(%dma_start3A_5 : memref<256x128xf32, #tpu.memory_space<vmem>>) offsets(%dma_start3A_7 : memref<256xi32, #tpu.memory_space<vmem>>) semaphore(%dma_start3A_12 : memref<!tpu.dma_semaphore, #tpu.memory_space<semaphore_mem>>)
    %dma_start3A_13 = arith.constant 1 : i32
    %dma_start3A_14 = arith.constant 256 : i32
    %dma_start3A_15 = arith.constant 0 : i32
    %dma_start3A_16 = tpu.memref_slice %arg6[%dma_start3A_14, %dma_start3A_15] : memref<512x128xf32, #tpu.memory_space<vmem>> -> memref<256x128xf32, #tpu.memory_space<vmem>>
    %dma_start3A_17 = arith.constant 256 : i32
    %dma_start3A_18 = tpu.memref_slice %arg5[%dma_start3A_17] : memref<512xi32, #tpu.memory_space<vmem>> -> memref<256xi32, #tpu.memory_space<vmem>>
    %dma_start3A_19 = arith.constant 0 : i32
    %dma_start3A_20 = arith.constant 0 : i32
    %dma_start3A_21 = tpu.memref_slice %arg2[%dma_start3A_19, %dma_start3A_20] : memref<30000x128xf32, #tpu.memory_space<hbm>> -> memref<30000x128xf32, #tpu.memory_space<hbm>>
    %dma_start3A_22 = tpu.memref_slice %arg7[%dma_start3A_13] : memref<2x!tpu.dma_semaphore, #tpu.memory_space<semaphore_mem>> -> memref<1x!tpu.dma_semaphore, #tpu.memory_space<semaphore_mem>>
    %dma_start3A_23 = tpu.memref_squeeze %dma_start3A_22 : memref<1x!tpu.dma_semaphore, #tpu.memory_space<semaphore_mem>> -> memref<!tpu.dma_semaphore, #tpu.memory_space<semaphore_mem>>
    tpu.enqueue_indirect_dma source(%dma_start3A_21 : memref<30000x128xf32, #tpu.memory_space<hbm>>) target(%dma_start3A_16 : memref<256x128xf32, #tpu.memory_space<vmem>>) offsets(%dma_start3A_18 : memref<256xi32, #tpu.memory_space<vmem>>) semaphore(%dma_start3A_23 : memref<!tpu.dma_semaphore, #tpu.memory_space<semaphore_mem>>)
    %dma_wait3A = arith.constant 0 : i32
    %dma_wait3A_24 = arith.constant 0 : i32
    %dma_wait3A_25 = arith.constant 0 : i32
    %dma_wait3A_26 = tpu.memref_slice %arg6[%dma_wait3A_24, %dma_wait3A_25] : memref<512x128xf32, #tpu.memory_space<vmem>> -> memref<256x128xf32, #tpu.memory_space<vmem>>
    %dma_wait3A_27 = arith.constant 0 : i32
    %dma_wait3A_28 = tpu.memref_slice %arg5[%dma_wait3A_27] : memref<512xi32, #tpu.memory_space<vmem>> -> memref<256xi32, #tpu.memory_space<vmem>>
    %dma_wait3A_29 = arith.constant 0 : i32
    %dma_wait3A_30 = arith.constant 0 : i32
    %dma_wait3A_31 = tpu.memref_slice %arg2[%dma_wait3A_29, %dma_wait3A_30] : memref<30000x128xf32, #tpu.memory_space<hbm>> -> memref<30000x128xf32, #tpu.memory_space<hbm>>
    %dma_wait3A_32 = tpu.memref_slice %arg7[%dma_wait3A] : memref<2x!tpu.dma_semaphore, #tpu.memory_space<semaphore_mem>> -> memref<1x!tpu.dma_semaphore, #tpu.memory_space<semaphore_mem>>
    %dma_wait3A_33 = tpu.memref_squeeze %dma_wait3A_32 : memref<1x!tpu.dma_semaphore, #tpu.memory_space<semaphore_mem>> -> memref<!tpu.dma_semaphore, #tpu.memory_space<semaphore_mem>>
    tpu.wait_indirect_dma semaphore(%dma_wait3A_33 : memref<!tpu.dma_semaphore, #tpu.memory_space<semaphore_mem>>) src(%dma_wait3A_31 : memref<30000x128xf32, #tpu.memory_space<hbm>>) dst(%dma_wait3A_26 : memref<256x128xf32, #tpu.memory_space<vmem>>)
    %dma_start3A_34 = arith.constant 0 : i32
    %dma_start3A_35 = arith.constant 0 : i32
    %dma_start3A_36 = arith.constant 0 : i32
    %dma_start3A_37 = tpu.memref_slice %arg6[%dma_start3A_35, %dma_start3A_36] : memref<512x128xf32, #tpu.memory_space<vmem>> -> memref<256x128xf32, #tpu.memory_space<vmem>>
    %dma_start3A_38 = arith.constant 0 : i32
    %dma_start3A_39 = tpu.memref_slice %arg4[%mul3A_2, %dma_start3A_38] : memref<16384x128xf32, #tpu.memory_space<hbm>> -> memref<256x128xf32, #tpu.memory_space<hbm>>
    %dma_start3A_40 = tpu.memref_slice %arg8[%dma_start3A_34] : memref<2x!tpu.dma_semaphore, #tpu.memory_space<semaphore_mem>> -> memref<1x!tpu.dma_semaphore, #tpu.memory_space<semaphore_mem>>
    %dma_start3A_41 = tpu.memref_squeeze %dma_start3A_40 : memref<1x!tpu.dma_semaphore, #tpu.memory_space<semaphore_mem>> -> memref<!tpu.dma_semaphore, #tpu.memory_space<semaphore_mem>>
    %dma_start3A_42 = arith.constant 0 : i32
    %dma_start3A_43 = tpu.memref_slice %arg4[%mul3A_2, %dma_start3A_42] : memref<16384x128xf32, #tpu.memory_space<hbm>> -> memref<256x128xf32, #tpu.memory_space<hbm>>
    %dma_start3A_44 = arith.constant 0 : i32
    %dma_start3A_45 = arith.constant 0 : i32
    %dma_start3A_46 = tpu.memref_slice %arg6[%dma_start3A_44, %dma_start3A_45] : memref<512x128xf32, #tpu.memory_space<vmem>> -> memref<256x128xf32, #tpu.memory_space<vmem>>
    tpu.enqueue_dma source(%dma_start3A_46 : memref<256x128xf32, #tpu.memory_space<vmem>>) target(%dma_start3A_43 : memref<256x128xf32, #tpu.memory_space<hbm>>) target_semaphore(%dma_start3A_41 : memref<!tpu.dma_semaphore, #tpu.memory_space<semaphore_mem>>)
    %dma_wait3A_47 = arith.constant 1 : i32
    %dma_wait3A_48 = arith.constant 256 : i32
    %dma_wait3A_49 = arith.constant 0 : i32
    %dma_wait3A_50 = tpu.memref_slice %arg6[%dma_wait3A_48, %dma_wait3A_49] : memref<512x128xf32, #tpu.memory_space<vmem>> -> memref<256x128xf32, #tpu.memory_space<vmem>>
    %dma_wait3A_51 = arith.constant 256 : i32
    %dma_wait3A_52 = tpu.memref_slice %arg5[%dma_wait3A_51] : memref<512xi32, #tpu.memory_space<vmem>> -> memref<256xi32, #tpu.memory_space<vmem>>
    %dma_wait3A_53 = arith.constant 0 : i32
    %dma_wait3A_54 = arith.constant 0 : i32
    %dma_wait3A_55 = tpu.memref_slice %arg2[%dma_wait3A_53, %dma_wait3A_54] : memref<30000x128xf32, #tpu.memory_space<hbm>> -> memref<30000x128xf32, #tpu.memory_space<hbm>>
    %dma_wait3A_56 = tpu.memref_slice %arg7[%dma_wait3A_47] : memref<2x!tpu.dma_semaphore, #tpu.memory_space<semaphore_mem>> -> memref<1x!tpu.dma_semaphore, #tpu.memory_space<semaphore_mem>>
    %dma_wait3A_57 = tpu.memref_squeeze %dma_wait3A_56 : memref<1x!tpu.dma_semaphore, #tpu.memory_space<semaphore_mem>> -> memref<!tpu.dma_semaphore, #tpu.memory_space<semaphore_mem>>
    tpu.wait_indirect_dma semaphore(%dma_wait3A_57 : memref<!tpu.dma_semaphore, #tpu.memory_space<semaphore_mem>>) src(%dma_wait3A_55 : memref<30000x128xf32, #tpu.memory_space<hbm>>) dst(%dma_wait3A_50 : memref<256x128xf32, #tpu.memory_space<vmem>>)
    %add3A_58 = arith.constant 256 : i32
    %add3A_59 = arith.addi %mul3A_2, %add3A_58 : i32
    %dma_start3A_60 = arith.constant 1 : i32
    %dma_start3A_61 = arith.constant 256 : i32
    %dma_start3A_62 = arith.constant 0 : i32
    %dma_start3A_63 = tpu.memref_slice %arg6[%dma_start3A_61, %dma_start3A_62] : memref<512x128xf32, #tpu.memory_space<vmem>> -> memref<256x128xf32, #tpu.memory_space<vmem>>
    %dma_start3A_64 = arith.constant 0 : i32
    %dma_start3A_65 = tpu.memref_slice %arg4[%add3A_59, %dma_start3A_64] : memref<16384x128xf32, #tpu.memory_space<hbm>> -> memref<256x128xf32, #tpu.memory_space<hbm>>
    %dma_start3A_66 = tpu.memref_slice %arg8[%dma_start3A_60] : memref<2x!tpu.dma_semaphore, #tpu.memory_space<semaphore_mem>> -> memref<1x!tpu.dma_semaphore, #tpu.memory_space<semaphore_mem>>
    %dma_start3A_67 = tpu.memref_squeeze %dma_start3A_66 : memref<1x!tpu.dma_semaphore, #tpu.memory_space<semaphore_mem>> -> memref<!tpu.dma_semaphore, #tpu.memory_space<semaphore_mem>>
    %dma_start3A_68 = arith.constant 0 : i32
    %dma_start3A_69 = tpu.memref_slice %arg4[%add3A_59, %dma_start3A_68] : memref<16384x128xf32, #tpu.memory_space<hbm>> -> memref<256x128xf32, #tpu.memory_space<hbm>>
    %dma_start3A_70 = arith.constant 256 : i32
    %dma_start3A_71 = arith.constant 0 : i32
    %dma_start3A_72 = tpu.memref_slice %arg6[%dma_start3A_70, %dma_start3A_71] : memref<512x128xf32, #tpu.memory_space<vmem>> -> memref<256x128xf32, #tpu.memory_space<vmem>>
    tpu.enqueue_dma source(%dma_start3A_72 : memref<256x128xf32, #tpu.memory_space<vmem>>) target(%dma_start3A_69 : memref<256x128xf32, #tpu.memory_space<hbm>>) target_semaphore(%dma_start3A_67 : memref<!tpu.dma_semaphore, #tpu.memory_space<semaphore_mem>>)
    %dma_wait3A_73 = arith.constant 0 : i32
    %dma_wait3A_74 = arith.constant 0 : i32
    %dma_wait3A_75 = arith.constant 0 : i32
    %dma_wait3A_76 = tpu.memref_slice %arg6[%dma_wait3A_74, %dma_wait3A_75] : memref<512x128xf32, #tpu.memory_space<vmem>> -> memref<256x128xf32, #tpu.memory_space<vmem>>
    %dma_wait3A_77 = arith.constant 0 : i32
    %dma_wait3A_78 = tpu.memref_slice %arg4[%mul3A_2, %dma_wait3A_77] : memref<16384x128xf32, #tpu.memory_space<hbm>> -> memref<256x128xf32, #tpu.memory_space<hbm>>
    %dma_wait3A_79 = tpu.memref_slice %arg8[%dma_wait3A_73] : memref<2x!tpu.dma_semaphore, #tpu.memory_space<semaphore_mem>> -> memref<1x!tpu.dma_semaphore, #tpu.memory_space<semaphore_mem>>
    %dma_wait3A_80 = tpu.memref_squeeze %dma_wait3A_79 : memref<1x!tpu.dma_semaphore, #tpu.memory_space<semaphore_mem>> -> memref<!tpu.dma_semaphore, #tpu.memory_space<semaphore_mem>>
    %dma_wait3A_81 = arith.constant 0 : i32
    %dma_wait3A_82 = tpu.memref_slice %arg4[%mul3A_2, %dma_wait3A_81] : memref<16384x128xf32, #tpu.memory_space<hbm>> -> memref<256x128xf32, #tpu.memory_space<hbm>>
    %dma_wait3A_83 = arith.constant 0 : i32
    %dma_wait3A_84 = arith.constant 0 : i32
    %dma_wait3A_85 = tpu.memref_slice %arg6[%dma_wait3A_83, %dma_wait3A_84] : memref<512x128xf32, #tpu.memory_space<vmem>> -> memref<256x128xf32, #tpu.memory_space<vmem>>
    tpu.wait_dma2 semaphore(%dma_wait3A_80 : memref<!tpu.dma_semaphore, #tpu.memory_space<semaphore_mem>>) src(%dma_wait3A_85 : memref<256x128xf32, #tpu.memory_space<vmem>>) dst(%dma_wait3A_82 : memref<256x128xf32, #tpu.memory_space<hbm>>)
    %dma_wait3A_86 = arith.constant 1 : i32
    %dma_wait3A_87 = arith.constant 256 : i32
    %dma_wait3A_88 = arith.constant 0 : i32
    %dma_wait3A_89 = tpu.memref_slice %arg6[%dma_wait3A_87, %dma_wait3A_88] : memref<512x128xf32, #tpu.memory_space<vmem>> -> memref<256x128xf32, #tpu.memory_space<vmem>>
    %dma_wait3A_90 = arith.constant 0 : i32
    %dma_wait3A_91 = tpu.memref_slice %arg4[%add3A_59, %dma_wait3A_90] : memref<16384x128xf32, #tpu.memory_space<hbm>> -> memref<256x128xf32, #tpu.memory_space<hbm>>
    %dma_wait3A_92 = tpu.memref_slice %arg8[%dma_wait3A_86] : memref<2x!tpu.dma_semaphore, #tpu.memory_space<semaphore_mem>> -> memref<1x!tpu.dma_semaphore, #tpu.memory_space<semaphore_mem>>
    %dma_wait3A_93 = tpu.memref_squeeze %dma_wait3A_92 : memref<1x!tpu.dma_semaphore, #tpu.memory_space<semaphore_mem>> -> memref<!tpu.dma_semaphore, #tpu.memory_space<semaphore_mem>>
    %dma_wait3A_94 = arith.constant 0 : i32
    %dma_wait3A_95 = tpu.memref_slice %arg4[%add3A_59, %dma_wait3A_94] : memref<16384x128xf32, #tpu.memory_space<hbm>> -> memref<256x128xf32, #tpu.memory_space<hbm>>
    %dma_wait3A_96 = arith.constant 256 : i32
    %dma_wait3A_97 = arith.constant 0 : i32
    %dma_wait3A_98 = tpu.memref_slice %arg6[%dma_wait3A_96, %dma_wait3A_97] : memref<512x128xf32, #tpu.memory_space<vmem>> -> memref<256x128xf32, #tpu.memory_space<vmem>>
    tpu.wait_dma2 semaphore(%dma_wait3A_93 : memref<!tpu.dma_semaphore, #tpu.memory_space<semaphore_mem>>) src(%dma_wait3A_98 : memref<256x128xf32, #tpu.memory_space<vmem>>) dst(%dma_wait3A_95 : memref<256x128xf32, #tpu.memory_space<hbm>>)
    return
  }
}

module attributes {stable_mosaic.version = 14 : i64} {
  func.func @_ln_body(%arg0: i32, %arg1: memref<4096x128xf32, #tpu.memory_space<vmem>>, %arg2: memref<512x128xf32, #tpu.memory_space<vmem>>, %arg3: memref<2x128xf32, #tpu.memory_space<vmem>>, %arg4: memref<1x128xf32, #tpu.memory_space<vmem>>, %arg5: memref<1x128xf32, #tpu.memory_space<vmem>>, %arg6: memref<4096x128xf32, #tpu.memory_space<vmem>>) attributes {dimension_semantics = [#tpu.dimension_semantics<arbitrary>], iteration_bounds = array<i64: 4>, scalar_prefetch = 0 : i64, scratch_operands = 0 : i64, tpu.core_type = #tpu.core_type<tc>, window_params = [{transform_indices = @transform_0, window_bounds = array<i64: 4096, 128>}, {transform_indices = @transform_1, window_bounds = array<i64: 512, 128>}, {pipeline_mode = #tpu.pipeline_mode<synchronous>, transform_indices = @transform_2, window_bounds = array<i64: 2, 128>}, {pipeline_mode = #tpu.pipeline_mode<synchronous>, transform_indices = @transform_3, window_bounds = array<i64: 1, 128>}, {pipeline_mode = #tpu.pipeline_mode<synchronous>, transform_indices = @transform_4, window_bounds = array<i64: 1, 128>}, {transform_indices = @transform_5, window_bounds = array<i64: 4096, 128>}]} {
    %get3A = arith.constant 0 : index
    %get3A_0 = arith.constant 0 : index
    %get3A_1 = vector.load %arg2[%get3A, %get3A_0] : memref<512x128xf32, #tpu.memory_space<vmem>>, vector<512x128xf32>
    %get3A_2 = arith.constant 0 : index
    %get3A_3 = arith.constant 0 : index
    %get3A_4 = vector.load %arg3[%get3A_2, %get3A_3] : memref<2x128xf32, #tpu.memory_space<vmem>>, vector<1x128xf32>
    %get3A_5 = vector.shape_cast %get3A_4 : vector<1x128xf32> to vector<128xf32>
    %broadcast_in_dim3A = vector.shape_cast %get3A_5 : vector<128xf32> to vector<1x128xf32>
    %add3A = vector.broadcast %broadcast_in_dim3A : vector<1x128xf32> to vector<512x128xf32>
    %add3A_6 = arith.addf %get3A_1, %add3A : vector<512x128xf32>
    %get3A_7 = arith.constant 0 : index
    %get3A_8 = arith.constant 0 : index
    %get3A_9 = vector.load %arg1[%get3A_7, %get3A_8] : memref<4096x128xf32, #tpu.memory_space<vmem>>, vector<4096x128xf32>
    %reshape3A = vector.shape_cast %get3A_9 : vector<4096x128xf32> to vector<8x512x128xf32>
    %broadcast_in_dim3A_10 = vector.shape_cast %add3A_6 : vector<512x128xf32> to vector<1x512x128xf32>
    %add3A_11 = vector.broadcast %broadcast_in_dim3A_10 : vector<1x512x128xf32> to vector<8x512x128xf32>
    %add3A_12 = arith.addf %reshape3A, %add3A_11 : vector<8x512x128xf32>
    %reduce_sum3A = arith.constant dense<0.000000e+00> : vector<8x512xf32>
    %reduce_sum3A_13 = vector.multi_reduction <add>, %add3A_12, %reduce_sum3A [2] : vector<8x512x128xf32> to vector<8x512xf32>
    %broadcast_in_dim3A_14 = vector.shape_cast %reduce_sum3A_13 : vector<8x512xf32> to vector<8x512x1xf32>
    %mul3A = arith.constant 7.812500e-03 : f32
    %mul3A_15 = vector.broadcast %mul3A : f32 to vector<8x512x1xf32>
    %mul3A_16 = arith.mulf %broadcast_in_dim3A_14, %mul3A_15 : vector<8x512x1xf32>
    %mul3A_17 = arith.mulf %add3A_12, %add3A_12 : vector<8x512x128xf32>
    %reduce_sum3A_18 = arith.constant dense<0.000000e+00> : vector<8x512xf32>
    %reduce_sum3A_19 = vector.multi_reduction <add>, %mul3A_17, %reduce_sum3A_18 [2] : vector<8x512x128xf32> to vector<8x512xf32>
    %broadcast_in_dim3A_20 = vector.shape_cast %reduce_sum3A_19 : vector<8x512xf32> to vector<8x512x1xf32>
    %mul3A_21 = arith.constant 7.812500e-03 : f32
    %mul3A_22 = vector.broadcast %mul3A_21 : f32 to vector<8x512x1xf32>
    %mul3A_23 = arith.mulf %broadcast_in_dim3A_20, %mul3A_22 : vector<8x512x1xf32>
    %mul3A_24 = arith.mulf %mul3A_16, %mul3A_16 : vector<8x512x1xf32>
    %sub3A = arith.subf %mul3A_23, %mul3A_24 : vector<8x512x1xf32>
    %add3A_25 = arith.constant 9.99999996E-13 : f32
    %add3A_26 = vector.broadcast %add3A_25 : f32 to vector<8x512x1xf32>
    %add3A_27 = arith.addf %sub3A, %add3A_26 : vector<8x512x1xf32>
    %rsqrt3A = math.rsqrt %add3A_27 : vector<8x512x1xf32>
    %sub3A_28 = vector.broadcast %mul3A_16 : vector<8x512x1xf32> to vector<8x512x128xf32>
    %sub3A_29 = arith.subf %add3A_12, %sub3A_28 : vector<8x512x128xf32>
    %mul3A_30 = vector.broadcast %rsqrt3A : vector<8x512x1xf32> to vector<8x512x128xf32>
    %mul3A_31 = arith.mulf %sub3A_29, %mul3A_30 : vector<8x512x128xf32>
    %get3A_32 = arith.constant 0 : index
    %get3A_33 = arith.constant 0 : index
    %get3A_34 = vector.load %arg4[%get3A_32, %get3A_33] : memref<1x128xf32, #tpu.memory_space<vmem>>, vector<1x128xf32>
    %get3A_35 = arith.constant 0 : index
    %get3A_36 = arith.constant 0 : index
    %get3A_37 = vector.load %arg5[%get3A_35, %get3A_36] : memref<1x128xf32, #tpu.memory_space<vmem>>, vector<1x128xf32>
    %broadcast_in_dim3A_38 = vector.shape_cast %get3A_34 : vector<1x128xf32> to vector<1x1x128xf32>
    %mul3A_39 = vector.broadcast %broadcast_in_dim3A_38 : vector<1x1x128xf32> to vector<8x512x128xf32>
    %mul3A_40 = arith.mulf %mul3A_31, %mul3A_39 : vector<8x512x128xf32>
    %broadcast_in_dim3A_41 = vector.shape_cast %get3A_37 : vector<1x128xf32> to vector<1x1x128xf32>
    %add3A_42 = vector.broadcast %broadcast_in_dim3A_41 : vector<1x1x128xf32> to vector<8x512x128xf32>
    %add3A_43 = arith.addf %mul3A_40, %add3A_42 : vector<8x512x128xf32>
    %reshape3A_44 = vector.shape_cast %add3A_43 : vector<8x512x128xf32> to vector<4096x128xf32>
    %swap3A = arith.constant 0 : index
    %swap3A_45 = arith.constant 0 : index
    %swap3A_46 = vector.load %arg6[%swap3A, %swap3A_45] : memref<4096x128xf32, #tpu.memory_space<vmem>>, vector<4096x128xf32>
    tpu.vector_store %arg6[%swap3A, %swap3A_45], %reshape3A_44 {strides = array<i32>} : memref<4096x128xf32, #tpu.memory_space<vmem>>, vector<4096x128xf32>,
    return
  }
  func.func @transform_0(%arg0: i32) -> (i32, i32) {
    %c0_i32 = arith.constant 0 : i32
    %c0_i32_0 = arith.constant 0 : i32
    return %arg0, %c0_i32 : i32, i32
  }
  func.func @transform_1(%arg0: i32) -> (i32, i32) {
    %jit3A = arith.constant 1 : i32
    %eq3A = arith.constant 0 : i32
    %eq3A_0 = arith.cmpi eq, %jit3A, %eq3A : i32
    %jit3A_1 = arith.constant 1 : i32
    %select_n3A = arith.select %eq3A_0, %jit3A_1, %jit3A : i32
    %rem3A = arith.remsi %arg0, %select_n3A : i32
    %ne3A = arith.constant 0 : i32
    %ne3A_2 = arith.cmpi ne, %rem3A, %ne3A : i32
    %lt3A = arith.constant 0 : i32
    %lt3A_3 = arith.cmpi slt, %rem3A, %lt3A : i32
    %lt3A_4 = arith.constant 0 : i32
    %lt3A_5 = arith.cmpi slt, %select_n3A, %lt3A_4 : i32
    %ne3A_6 = arith.xori %lt3A_3, %lt3A_5 : i1
    %and3A = arith.andi %ne3A_6, %ne3A_2 : i1
    %add3A = arith.addi %rem3A, %select_n3A : i32
    %select_n3A_7 = arith.select %and3A, %add3A, %rem3A : i32
    %c0_i32 = arith.constant 0 : i32
    %c0_i32_8 = arith.constant 0 : i32
    return %select_n3A_7, %c0_i32 : i32, i32
  }
  func.func @transform_2(%arg0: i32) -> (i32, i32) {
    %c0_i32 = arith.constant 0 : i32
    %c0_i32_0 = arith.constant 0 : i32
    %c0_i32_1 = arith.constant 0 : i32
    return %c0_i32, %c0_i32_0 : i32, i32
  }
  func.func @transform_3(%arg0: i32) -> (i32, i32) {
    %c0_i32 = arith.constant 0 : i32
    %c0_i32_0 = arith.constant 0 : i32
    %c0_i32_1 = arith.constant 0 : i32
    return %c0_i32, %c0_i32_0 : i32, i32
  }
  func.func @transform_4(%arg0: i32) -> (i32, i32) {
    %c0_i32 = arith.constant 0 : i32
    %c0_i32_0 = arith.constant 0 : i32
    %c0_i32_1 = arith.constant 0 : i32
    return %c0_i32, %c0_i32_0 : i32, i32
  }
  func.func @transform_5(%arg0: i32) -> (i32, i32) {
    %c0_i32 = arith.constant 0 : i32
    %c0_i32_0 = arith.constant 0 : i32
    return %arg0, %c0_i32 : i32, i32
  }
}

</mosaic_0001>

<sc_bundles>
// kernel: kernel.4.cloned.1.call-start
scs
__scs_entry_jumppad:
0x0: {  	(pc) =	sbr.rel $0x88, $3  }
0x1: {  	(tag) =	ssettag $0x0;
	lr =	simm.s32 $0x1  }
0x2: {  	[smem:$0x3F9B] =	sst lr;
	_ =	strace $0xD0000000  }
0x3: {  	_ = 	snop  }
0x4: {  	_ = 	snop  }
0x5: {  	_ = 	snop  }
0x6: {  	_ = 	snop  }
0x7: {  	_ = 	snop  }
__scs_overlays_trampoline_lowered:
0x8: {  	[smem:$0x3FAA] =	sst s0  }
0x9: {  	[smem:$0x3FAB] =	sst s1  }
0xa: {  	[smem:$0x3FAC] =	sst s2  }
0xb: {  	[smem:$0x3FAD] =	sst s3  }
0xc: {  	[smem:$0x3FAE] =	sst s4  }
0xd: {  	[smem:$0x3FAF] =	sst s5  }
0xe: {  	[smem:$0x3FB0] =	sst s6  }
0xf: {  	[smem:$0x3FB1] =	sst s7  }
0x10: {  	[smem:$0x3FB2] =	sst s8  }
0x11: {  	[smem:$0x3FB3] =	sst s9;
	s0 =	simm.s32 @!p0 $0x0  }
0x12: {  	s1 =	sld [smem:$0x3F99];
	s0 =	simm.s32 @p0 $0x1  }
0x13: {  	[smem:$0x3FB4] =	sst s0;
	s0 =	simm.s32 @!p1 $0x0  }
0x14: {  	s2 =	sld [smem:$0x3F98];
	s0 =	simm.s32 @p1 $0x1  }
0x15: {  	[smem:$0x3FB5] =	sst s0;
	s0 =	simm.s32 @!p2 $0x0  }
0x16: {  	s3 =	sld [smem:$0x3FDB];
	s0 =	simm.s32 @p2 $0x1  }
0x17: {  	s4 =	simm.s32 $0x1BF5;
	[smem:$0x3FB7] =	sst s0  }
0x18: {  	s0 =	sld [smem:$0x3F9A];
	_ =	swait.ge [sflag:s4], $0x0  }
0x19: {  	s7 =	sld [smem:$0x3F9B]  }
0x1a: {  	s8 =	sadd.s32 $0xFFFFE003, lr  }
0x1b: {  	s9 =	sadd.s32 $0xFFFFFEF7, lr;
	s5 =	simm.s32 $0xFFFFFFFF;
	p2 =	slt.u32 s8, $0xFFFFF086  }
0x1c: {  	p1 =	slt.u32 s9, $0xF7A;
	s5 =	simm.s32 @!p2 $0x0  }
0x1d: {  	s5 =	simm.s32 @p1 $0x1;
	p0 =	seq.s32 s7, s2  }
0x1e: {  	s7 =	smul.u32 @!p0 $0xF7A, s2;
	p2 =	seq.s32 @!p0 s5, $0x0  }
0x1f: {  	s9 =	smul.u32 $0xF7A, s1;
	s8 =	simm.s32 @!p0 $0x1BF5;
	p2 =	por !p2, p0  }
0x20: {  	[sflag:s8] =	ssyncset.s32 @!p0 $0xFFFFF086;
	s6 =	sadd.s32 @!p0 s3, s7;
	s7 =	simm.s32 @!p0 $0x108  }
0x21: {  	s3 =	sadd.s32 s3, s9;
	s6 =	sadd.s32 @!p0 $0x88, s6;
	s7 =	simm.s32 @p2 $0x1082  }
0x22: {  	[simem:s7], [sflag:s8] =	dma.local @!p0 [hbm:s6], $0xF7A  }
0x23: {  	s9 =	sor.u32 $0xD0000000, s2;
	s6 =	simm.s32 $0x108;
	_ =	swait.ge @!p0 [sflag:s8], $0x0  }
0x24: {  	s3 =	sadd.s32 $0x88, s3;
	s6 =	simm.s32 @!p1 $0x1082;
	[sflag:s4] =	ssyncset.s32 $0xFFFFF086  }
0x25: {  	[simem:s6], [sflag:s4] =	dma.local [hbm:s3], $0xF7A  }
0x26: {  	[smem:$0x3F9B] =	sst s1;
	(tag) =	ssettag s2;
	_ =	strace s9  }
0x27: {  	s1 =	sld [smem:$0x3FAB]  }
0x28: {  	s2 =	sld [smem:$0x3FAC]  }
0x29: {  	s4 =	sld [smem:$0x3FAE]  }
0x2a: {  	p0 =	seq.s32 s5, $0x0;
	s5 =	sld [smem:$0x3FAF]  }
0x2b: {  	s6 =	sld [smem:$0x3FB0]  }
0x2c: {  	s7 =	sld [smem:$0x3FB1]  }
0x2d: {  	s3 =	simm.s32 $0x108;
	s8 =	sld [smem:$0x3FB2]  }
0x2e: {  	s3 =	simm.s32 @!p0 $0x1082;
	s9 =	sld [smem:$0x3FB3]  }
0x2f: {  	lr =	sadd.s32 s0, s3;
	s0 =	sld [smem:$0x3FAA]  }
0x30: {  	s3 =	sld [smem:$0x3FAD]  }
0x31: {  	[smem:$0x3FB6] =	sst s10  }
0x32: {  	s10 =	sld [smem:$0x3FB4];
	_ =	sdelay $0x3  }
0x33: {  	p0 =	seq.s32 s10, $0x1;
	s10 =	sld [smem:$0x3FB6];
	_ =	sdelay $0x3  }
0x34: {  	[smem:$0x3FB6] =	sst s10  }
0x35: {  	s10 =	sld [smem:$0x3FB5];
	_ =	sdelay $0x3  }
0x36: {  	p1 =	seq.s32 s10, $0x1;
	s10 =	sld [smem:$0x3FB6];
	_ =	sdelay $0x3  }
0x37: {  	[smem:$0x3FB6] =	sst s10  }
0x38: {  	s10 =	sld [smem:$0x3FB7]  }
0x39: {  	_ = 	snop;
	(pc) =	sbr.ind lr, $3  }
0x3a: {  	_ = 	snop  }
0x3b: {  	_ = 	snop  }
0x3c: {  	p2 =	seq.s32 s10, $0x1;
	s10 =	sld [smem:$0x3FB6]  }
0x3d: {  	_ =	shalt  }
0x3e: {  	_ =	shalt  }
0x3f: {  	_ =	shalt  }
0x40: {  	_ =	shalt  }
0x41: {  	_ =	shalt  }
0x42: {  	_ =	shalt  }
0x43: {  	_ =	shalt  }
0x44: {  	_ =	shalt  }
0x45: {  	_ =	shalt  }
0x46: {  	_ =	shalt  }
0x47: {  	_ =	shalt  }
0x48: {  	_ =	shalt  }
0x49: {  	_ =	shalt  }
0x4a: {  	_ =	shalt  }
0x4b: {  	_ =	shalt  }
0x4c: {  	_ =	shalt  }
0x4d: {  	_ =	shalt  }
0x4e: {  	_ =	shalt  }
0x4f: {  	_ =	shalt  }
0x50: {  	_ =	shalt  }
0x51: {  	_ =	shalt  }
0x52: {  	_ =	shalt  }
0x53: {  	_ =	shalt  }
0x54: {  	_ =	shalt  }
0x55: {  	_ =	shalt  }
0x56: {  	_ =	shalt  }
0x57: {  	_ =	shalt  }
0x58: {  	_ =	shalt  }
0x59: {  	_ =	shalt  }
0x5a: {  	_ =	shalt  }
0x5b: {  	_ =	shalt  }
0x5c: {  	_ =	shalt  }
0x5d: {  	_ =	shalt  }
0x5e: {  	_ =	shalt  }
0x5f: {  	_ =	shalt  }
0x60: {  	_ =	shalt  }
0x61: {  	_ =	shalt  }
0x62: {  	_ =	shalt  }
0x63: {  	_ =	shalt  }
0x64: {  	_ =	shalt  }
0x65: {  	_ =	shalt  }
0x66: {  	_ =	shalt  }
0x67: {  	_ =	shalt  }
0x68: {  	_ =	shalt  }
0x69: {  	_ =	shalt  }
0x6a: {  	_ =	shalt  }
0x6b: {  	_ =	shalt  }
0x6c: {  	_ =	shalt  }
0x6d: {  	_ =	shalt  }
0x6e: {  	_ =	shalt  }
0x6f: {  	_ =	shalt  }
0x70: {  	_ =	shalt  }
0x71: {  	_ =	shalt  }
0x72: {  	_ =	shalt  }
0x73: {  	_ =	shalt  }
0x74: {  	_ =	shalt  }
0x75: {  	_ =	shalt  }
0x76: {  	_ =	shalt  }
0x77: {  	_ =	shalt  }
0x78: {  	_ =	shalt  }
0x79: {  	_ =	shalt  }
0x7a: {  	_ =	shalt  }
0x7b: {  	_ =	shalt  }
0x7c: {  	_ =	shalt  }
0x7d: {  	_ =	shalt  }
0x7e: {  	_ =	shalt  }
0x7f: {  	_ =	shalt  }
0x80: {  	_ =	shalt  }
0x81: {  	_ =	shalt  }
0x82: {  	_ =	shalt  }
0x83: {  	_ =	shalt  }
0x84: {  	_ =	shalt  }
0x85: {  	_ =	shalt  }
0x86: {  	_ =	shalt  }
0x87: {  	_ =	shalt  }
.Lfunc_end0:
.L_simem_size_0:
called_computation_lowered:
.L_overlay_start_0:
0x88: {  	s2 =	sld [smem:$0x3FD9]  }
0x89: {  	s3 =	sld [smem:$0x3FFE];
	_ =	sdelay $0x1  }
0x8a: {  	s1 =	srdreg.scid  }
0x8b: {  	s0 =	sand.u32 $0x1, s1  }
0x8c: {  	s17 =	sshll.u32 s0, $0xA;
	s2 =	sadd.s32 s3, s2  }
0x8d: {  	s2 =	sadd.s32 s2, s17  }
0x8e: {  	[smem:$0x3FC2] =	sst s2  }
0x8f: {  	_ = 	snop  }
0x90: {  	s2 =	sld [smem:$0x3FC8]  }
0x91: {  	s18 =	sld [smem:$0x3FD0];
	(tm) =	ssettm $0x1  }
0x92: {  	s4 =	sld [smem:$0x3FFB];
	_ =	sdelay $0x3  }
0x93: {  	_ =	strace s4  }
0x94: {  	s4 =	sld [smem:$0x3FFC];
	_ =	sdelay $0x3  }
0x95: {  	_ =	strace s4  }
0x96: {  	s4 =	sld [smem:$0x3FFD];
	_ =	sdelay $0x3  }
0x97: {  	_ =	strace s4  }
0x98: {  	_ =	strace $0x8FFFFFFF  }
0x99: {  	s19 =	sld [smem:$0x3FDB];
	_ =	sdelay $0x1  }
0x9a: {  	s5 =	simm.s32 $_scs_section_size  }
0x9b: {  	s6 =	simm.s32 $_size__tile_overlayer_lowered;
	s7 =	simm.s32 $_tile_overlayer_lowered  }
0x9c: {  	s22 =	simm.s32 $0x1BFF;
	s21 =	sshll.u32 s7, $0x1;
	s4 =	sadd.s32 s5, s19  }
0x9d: {  	s8 =	simm.s32 $0x0;
	s20 =	sshll.u32 s6, $0x1;
	s6 =	sadd.s32 s21, s4  }
0x9e: {  	[timem:s8], [sflag:s22] =	dma.local [hbm:s6], s20  }
0x9f: {  	_ =	swait.ge [sflag:s22], s20  }
0xa0: {  	s5 =	ssub.s32 $0x0, s20;
	[sflag:s22] =	ssyncset.done $0x0  }
0xa1: {  	[sflag:s22] =	ssyncadd.s32 s5;
	_ =	sdelay $0x1  }
0xa2: {  	s23 =	simm.s32 $0x1B8B  }
0xa3: {  	_ =	swait.ge [sflag:s23], $0x1  }
0xa4: {  	[sflag:s23] =	ssyncset.done $0x0  }
0xa5: {  	s25 =	simm.s32 $0x1B8E;
	s24 =	sld [smem:$0x3FFE];
	[sflag:s23] =	ssyncadd.s32 $0xFFFFFFFF  }
0xa6: {  	s26 =	simm.s32 $execute0_lowered;
	[smem:$0x3FD2] =	sst s25  }
0xa7: {  	s6 =	sshll.u32 s26, $0x1;
	_ =	strace $0x80000046;
	[dreg:$0x1] =	wrdreg $0xFFFFFFFF  }
0xa8: {  	s28 =	simm.s32 $_size_execute0_lowered;
	s4 =	sadd.s32 s4, s6;
	[dreg:$0x0] =	wrdreg $0x0  }
0xa9: {  	s6 =	sshll.u32 s28, $0x1;
	[dreg:$0x2] =	wrdreg s4  }
0xaa: {  	[dreg:$0x3] =	wrdreg s6  }
0xab: {  	[dreg:$0x4] =	wrdreg $0xC0  }
0xac: {  	_ =	task [dreg:s8], $0x5FFFF  }
0xad: {  	[dreg:$0x1] =	wrdreg $0xFFFFFFFF  }
0xae: {  	[dreg:$0x0] =	wrdreg $0x60  }
0xaf: {  	[dreg:$0x2] =	wrdreg s2  }
0xb0: {  	[dreg:$0x3] =	wrdreg s24  }
0xb1: {  	[dreg:$0x4] =	wrdreg s18  }
0xb2: {  	[dreg:$0x5] =	wrdreg $0x9  }
0xb3: {  	_ =	task.clear_ibuf [dreg:s8], $0x6FFFF;
	_ =	strace $0x90000046  }
0xb4: {  	s29 =	simm.s32 $0x9;
	_ =	strace $0x80000048  }
0xb5: {  	_ =	swait.ge [sflag:s29], $0x1  }
0xb6: {  	[sflag:s29] =	ssyncadd.s32 $0xFFFFFFFF  }
0xb7: {  	_ =	strace $0x90000048  }
0xb8: {  	_ =	sfence  }
0xb9: {  	s30 =	sld [smem:$0x0];
	_ =	sdelay $0x2  }
0xba: {  	s31 =	sshll.u32 s1, $0xD;
	s1 =	sshrl.u32 s1, $0x2  }
0xbb: {  	s3 =	sand.u32 $0x4000, s31;
	s1 =	sadd.s32 s1, s30  }
0xbc: {  	s0 =	sor.u32 s3, s0;
	s1 =	sshll.u32 s1, $0x11  }
0xbd: {  	s0 =	sor.u32 s1, s0  }
0xbe: {  	s0 =	sadd.s32 $0x8F2B, s0  }
0xbf: {  	[sflag:s0] =	ssyncadd.remote.s32 $0x1  }
0xc0: {  	_ =	sfence.sel $0xFFFF  }
0xc1: {  	[dreg:$0x0] =	wrdreg $0xFFFFFFFF;
	(pc) =	sbr.abs _section_cstart, $3  }
0xc2: {  	[dreg:$0x1] =	wrdreg $0xFFFFFFFF  }
0xc3: {  	_ =	task.clear_ibuf [dreg:s8], $0x2FFFF;
	_ =	strace $0x9FFFFFFF  }
0xc4: {  	(tm) =	ssettm $0x7FFFFFFF  }
0xc5: {  	_ =	shalt  }
tec
execute0_lowered:
.L_overlay_start_1:
0x0: {  	(tag) =	ssettag $0x1  }
0x1: {  	s2 =	srdreg.scid  }
0x2: {  	s1 =	rddreg [dreg:$0x0];
	s0 =	stileid.u32;
	s12 =	sand.u32 $0x1, s2  }
0x3: {  	s4 =	rddreg [dreg:$0x1];
	s31 =	sshll.u32 s0, $0xA;
	s3 =	sshll.u32 s12, $0x9  }
0x4: {  	s10 =	rddreg [dreg:$0x2];
	s11 =	sor.u32 s3, s31  }
0x5: {  	s2 =	rddreg [dreg:$0x3];
	s3 =	simm.s32 $0x0;
	s5 =	sshrl.u32 s11, $0x3  }
0x6: {  	[smem:$0x7FF] =	sst s3;
	s4 =	sadd.s32 s5, s4  }
0x7: {  	_ =	strace $0x80000047;
	s5 =	simm.s32 $0x5;
	s4 =	sadd.s32 $0xE00, s4  }
0x8: {  	[tilespmem:s3], [sflag:$0x5] =	stream.linear.gather [hbm4b:s4+s3], $0x200, $0x38;
	[tilespmem:$0x10200] =	vst v63  }
0x9: {  	_ =	swait.ge [sflag:s5], $0x200  }
0xa: {  	[sflag:s5] =	ssyncset.done $0x0  }
0xb: {  	s6 =	simm.s32 $0x100;
	s7 =	simm.s32 $0x200;
	[sflag:s5] =	ssyncadd.s32 $0xFFFFFE00  }
0xc: {  	[tilespmem:s7], [sflag:$0x1] =	stream.indirect.gather [hbm4b:s1+s6], $0x80, s3, s6, $0xb8;
	[tilespmem:$0x10200] =	vst v63  }
0xd: {  	s8 =	simm.s32 $0x8200;
	s9 =	simm.s32 $0x1  }
0xe: {  	[tilespmem:s8], [sflag:$0x2] =	stream.indirect.gather [hbm4b:s1+s6], $0x80, s6, s6, $0xb8;
	[tilespmem:$0x10200] =	vst v63  }
0xf: {  	s14 =	ssub.s32 $0x2, s12;
	_ =	swait.ge [sflag:s9], $0x8000  }
0x10: {  	s15 =	sshrl.u32 s14, $0x1;
	s11 =	sshll.u32 s11, $0x4;
	[sflag:s9] =	ssyncset.done $0x0  }
0x11: {  	s10 =	sadd.s32 s10, s11;
	s11 =	simm.s32 $0x2;
	[sflag:s9] =	ssyncadd.s32 $0xFFFF8000  }
0x12: {  	[hbm4b:s10+s3] =	stream.linear.scatter [tilespmem:s7], [sflag:$0x3], $0x8000, $0x38;
	[tilespmem:$0x10200] =	vst v63  }
0x13: {  	s14 =	ssub.s32 s14, s15;
	_ =	swait.ge [sflag:s11], $0x8000  }
0x14: {  	s13 =	simm.s32 $0x3;
	s15 =	smax.u32 s14, $0x1;
	[sflag:s11] =	ssyncset.done $0x0  }
0x15: {  	s12 =	sadd.s32 $0x1000, s10;
	p0 =	sne.s32 s15, $0x1;
	[sflag:s11] =	ssyncadd.s32 $0xFFFF8000  }
0x16: {  	[hbm4b:s12+s3] =	stream.linear.scatter [tilespmem:s8], [sflag:$0x4], $0x8000, $0x38;
	[tilespmem:$0x10200] =	vst v63  }
.Ltmp0:
0x17: {  	_ =	swait.ge [sflag:s13], $0x8000;
	(pc) =	sbr.rel @!p0 .LBB2_2-.Ltmp0, $4  }
0x18: {  	[sflag:s13] =	ssyncset.done $0x0  }
0x19: {  	s14 =	simm.s32 $0x4;
	[sflag:s13] =	ssyncadd.s32 $0xFFFF8000  }
0x1a: {  	_ =	swait.ge [sflag:s14], $0x8000  }
0x1b: {  	s15 =	sadd.s32 $0xFFFFFFFF, s15;
	[sflag:s14] =	ssyncset.done $0x0  }
.LBB2_1:
0x1c: {  	p0 =	sne.s32 s15, $0x1;
	s15 =	sadd.s32 $0xFFFFFFFF, s15;
	[sflag:s14] =	ssyncadd.s32 $0xFFFF8000  }
0x1d: {  	[tilespmem:s3], [sflag:$0x5] =	stream.linear.gather [hbm4b:s4+s3], $0x200, $0x38;
	[tilespmem:$0x10200] =	vst v63  }
0x1e: {  	_ =	swait.ge [sflag:s5], $0x200  }
0x1f: {  	[sflag:s5] =	ssyncset.done $0x0  }
0x20: {  	[sflag:s5] =	ssyncadd.s32 $0xFFFFFE00  }
0x21: {  	[tilespmem:s7], [sflag:$0x1] =	stream.indirect.gather [hbm4b:s1+s6], $0x80, s3, s6, $0xb8;
	[tilespmem:$0x10200] =	vst v63  }
0x22: {  	_ = 	snop  }
0x23: {  	[tilespmem:s8], [sflag:$0x2] =	stream.indirect.gather [hbm4b:s1+s6], $0x80, s6, s6, $0xb8;
	[tilespmem:$0x10200] =	vst v63  }
0x24: {  	_ =	swait.ge [sflag:s9], $0x8000  }
0x25: {  	[sflag:s9] =	ssyncset.done $0x0  }
0x26: {  	[sflag:s9] =	ssyncadd.s32 $0xFFFF8000  }
0x27: {  	[hbm4b:s10+s3] =	stream.linear.scatter [tilespmem:s7], [sflag:$0x3], $0x8000, $0x38;
	[tilespmem:$0x10200] =	vst v63  }
0x28: {  	_ =	swait.ge [sflag:s11], $0x8000  }
0x29: {  	[sflag:s11] =	ssyncset.done $0x0  }
0x2a: {  	[sflag:s11] =	ssyncadd.s32 $0xFFFF8000  }
0x2b: {  	[hbm4b:s12+s3] =	stream.linear.scatter [tilespmem:s8], [sflag:$0x4], $0x8000, $0x38;
	[tilespmem:$0x10200] =	vst v63  }
.Ltmp1:
0x2c: {  	_ =	swait.ge [sflag:s13], $0x8000;
	(pc) =	sbr.rel @p0 .LBB2_1-.Ltmp1, $4  }
0x2d: {  	[sflag:s13] =	ssyncset.done $0x0  }
0x2e: {  	[sflag:s13] =	ssyncadd.s32 $0xFFFF8000  }
0x2f: {  	_ =	swait.ge [sflag:s14], $0x8000  }
0x30: {  	[sflag:s14] =	ssyncset.done $0x0  }
.LBB2_2:
0x31: {  	[sflag:s14] =	ssyncadd.s32 $0xFFFF8000  }
0x32: {  	_ =	sfence.sel $0x180000  }
0x33: {  	[bflag:$0x0] =	sbarrier.arrive $0xFFFF  }
0x34: {  	p0 =	sne.s32 s0, $0x0;
	_ =	strace $0x90000047  }
0x35: {  	s0 =	sadd.s32 @!p0 $0x100000, s2;
	[bflag:$0x2] =	sbarrier.arrive $0xFFFF  }
0x36: {  	[sflag:s0] =	ssyncadd.tile.s32 @!p0 $0x1;
	_ =	shalt  }
.Lfunc_end2:
_tile_overlayer_lowered:
.L_overlay_start_2:
0x37: {  	(tag) =	ssettag $0x2  }
0x38: {  	s0 =	rddreg [dreg:$0x0];
	s2 =	stileid.u32  }
0x39: {  	s1 =	rddreg [dreg:$0x1];
	p0 =	sne.s32 s2, $0x0  }
0x3a: {  	s3 =	rddreg [dreg:$0x2];
	[bflag:$0x3] =	sbarrier.arrive $0xFFFF;
	s2 =	simm.s32 @!p0 $0x1C05  }
0x3b: {  	[timem:s3], [sflag:s2] =	dma.local @!p0 [hbm:s0], s1  }
0x3c: {  	s0 =	simm.s32 @!p0 $0x5  }
0x3d: {  	_ =	swait.ge @!p0 [sflag:s0], s1  }
0x3e: {  	s1 =	ssub.s32 @!p0 $0x0, s1;
	[sflag:s0] =	ssyncset.done @!p0 $0x0  }
0x3f: {  	[sflag:s0] =	ssyncadd.s32 @!p0 s1  }
0x40: {  	[bflag:$0x3] =	sbarrier.arrive $0xFFFF  }
0x41: {  	_ =	shalt  }

</sc_bundles>
